<compile_context>
chip_gen: v7x
topology: tpu7x:2x2x1
jax: 0.10.2.dev20260603
libtpu: 0.0.44.dev20260713+nightly
codegen_flags: <defaults>
</compile_context>

<pallas_src>
import functools

import jax
import jax.numpy as jnp
from jax import lax
from jax.experimental import pallas as pl
from jax.experimental.pallas import tpu as pltpu
from jax.experimental.pallas import tpu_sc as plsc

N_NODES = 10000
N_EDGES = 320000
D_IN = 128
D_EXT = 144

NC = 2
NS = 16
NW = NC * NS

CHUNK = 80
N_CHUNKS = 125
EDGES_PER_TILE = CHUNK * N_CHUNKS
PAD_PER_TILE = EDGES_PER_TILE - N_EDGES // NW

ACC_ROWS = 10112
ZERO_ROWS = ACC_ROWS // NS


def _sc_segment_sum(x_ext, eidx, zrows):
  mesh = plsc.VectorSubcoreMesh(core_axis_name="c", subcore_axis_name="s")

  @functools.partial(
      pl.kernel,
      out_type=jax.ShapeDtypeStruct((NC, ACC_ROWS, D_EXT), jnp.float32),
      mesh=mesh,
      scratch_types=[
          pltpu.VMEM((N_CHUNKS, CHUNK), jnp.int32),
          pltpu.VMEM((N_CHUNKS, CHUNK), jnp.int32),
          pltpu.VMEM((CHUNK, D_EXT), jnp.float32),
          pltpu.VMEM_SHARED((ACC_ROWS, D_EXT), jnp.float32),
          pltpu.SemaphoreType.DMA,
      ],
      compiler_params=pltpu.CompilerParams(use_tc_tiling_on_sc=False),
  )
  def k(xext_hbm, eidx_hbm, zrows_hbm, out_hbm, src_v, dst_v, rows0,
        acc, gsem):
    c = lax.axis_index("c")
    s = lax.axis_index("s")
    w = c * NS + s

    d0 = pltpu.async_copy(eidx_hbm.at[0, w], src_v, gsem)
    d1 = pltpu.async_copy(eidx_hbm.at[1, w], dst_v, gsem)
    d2 = pltpu.async_copy(zrows_hbm, acc.at[pl.ds(s * ZERO_ROWS, ZERO_ROWS)],
                          gsem)
    d0.wait()
    d1.wait()
    d2.wait()
    plsc.subcore_barrier()

    def body(j, carry):
      pltpu.async_copy(xext_hbm.at[src_v.at[j]], rows0, gsem).wait()
      pltpu.sync_copy(rows0, acc.at[dst_v.at[j]], add=True)
      return carry

    lax.fori_loop(0, N_CHUNKS, body, 0, unroll=5)
    plsc.subcore_barrier()

    base = s * ZERO_ROWS
    pltpu.sync_copy(acc.at[pl.ds(base, ZERO_ROWS)],
                    out_hbm.at[c, pl.ds(base, ZERO_ROWS)])

  return k(x_ext, eidx, zrows)


ROWS_BLK = 2000


def _tc_body(p_ref, x_ref, wlt_ref, bl_ref, wrt_ref, wfct_ref, bfc_ref,
             h_ref, probs_ref):
  p = p_ref[0] + p_ref[1]
  summed = p[:, :D_IN]
  cnt = p[:, D_IN:D_IN + 1]
  mean = summed / jnp.maximum(cnt, 1.0)
  h = (jnp.dot(mean, wlt_ref[...], preferred_element_type=jnp.float32)
       + bl_ref[...]
       + jnp.dot(x_ref[...], wrt_ref[...], preferred_element_type=jnp.float32))
  h_ref[...] = h
  logits = jnp.dot(h, wfct_ref[...], preferred_element_type=jnp.float32)
  probs_ref[...] = jax.nn.sigmoid(logits + bfc_ref[...])


def _tc_head(partials, x, W_lT, b_l, W_rT, W_fcT, b_fc2):
  n_blocks = N_NODES // ROWS_BLK
  return pl.pallas_call(
      _tc_body,
      grid=(n_blocks,),
      in_specs=[
          pl.BlockSpec((NC, ROWS_BLK, D_EXT), lambda i: (0, i, 0)),
          pl.BlockSpec((ROWS_BLK, D_IN), lambda i: (i, 0)),
          pl.BlockSpec((D_IN, D_IN), lambda i: (0, 0)),
          pl.BlockSpec((1, D_IN), lambda i: (0, 0)),
          pl.BlockSpec((D_IN, D_IN), lambda i: (0, 0)),
          pl.BlockSpec((D_IN, 1), lambda i: (0, 0)),
          pl.BlockSpec((1, 1), lambda i: (0, 0)),
      ],
      out_specs=[
          pl.BlockSpec((ROWS_BLK, D_IN), lambda i: (i, 0)),
          pl.BlockSpec((ROWS_BLK, 1), lambda i: (i, 0)),
      ],
      out_shape=[
          jax.ShapeDtypeStruct((N_NODES, D_IN), jnp.float32),
          jax.ShapeDtypeStruct((N_NODES, 1), jnp.float32),
      ],
  )(partials, x, W_lT, b_l, W_rT, W_fcT, b_fc2)


def kernel(x, edge_index, W_l, b_l, W_r, W_fc, b_fc):
  x_ext = jnp.concatenate(
      [x, jnp.ones((N_NODES, D_EXT - D_IN), dtype=jnp.float32)], axis=1)
  ei = edge_index.reshape(2, NW, N_EDGES // NW)
  pad_src = jnp.zeros((1, NW, PAD_PER_TILE), dtype=jnp.int32)
  pad_dst = jnp.broadcast_to(
      N_NODES + jnp.arange(PAD_PER_TILE, dtype=jnp.int32) % (ACC_ROWS - N_NODES),
      (1, NW, PAD_PER_TILE))
  eidx = jnp.concatenate([ei, jnp.concatenate([pad_src, pad_dst], 0)], axis=2)
  eidx = eidx.reshape(2, NW, N_CHUNKS, CHUNK)
  zrows = jnp.zeros((ZERO_ROWS, D_EXT), dtype=jnp.float32)

  partials = _sc_segment_sum(x_ext, eidx, zrows)

  h, probs = _tc_head(partials, x, W_l.T, b_l.reshape(1, D_IN),
                      W_r.T, W_fc.T, b_fc.reshape(1, 1))
  return (h, probs.reshape(N_NODES))

# --- scband reference (transcript-rebuilt; emitter-appended) ---
"""Pipeline reference for scband-gnn-69423851372893 (READ-ONLY COPY).

The authoritative reference and input builder live on the scoring server;
editing this copy changes nothing except your own understanding.
"""

import jax, jax.numpy as jnp
import numpy as np

N = 10000
E = 320000
D = 128
OUT = 1

def setup_inputs(seed: int = 0) -> dict:
    key = jax.random.key(seed)
    ks = jax.random.split(key, 8)
    x = jax.random.normal(ks[0], (N, D), dtype=jnp.float32)
    edge_index = jax.random.randint(ks[1], (2, E), 0, N, dtype=jnp.int32)
    s = 1.0 / np.sqrt(D)
    W_l = jax.random.uniform(ks[2], (D, D), dtype=jnp.float32, minval=-s, maxval=s)
    b_l = jax.random.uniform(ks[3], (D,), dtype=jnp.float32, minval=-s, maxval=s)
    W_r = jax.random.uniform(ks[4], (D, D), dtype=jnp.float32, minval=-s, maxval=s)
    W_fc = jax.random.uniform(ks[5], (OUT, D), dtype=jnp.float32, minval=-s, maxval=s)
    b_fc = jax.random.uniform(ks[6], (OUT,), dtype=jnp.float32, minval=-s, maxval=s)
    return {"x": x, "edge_index": edge_index, "W_l": W_l, "b_l": b_l, "W_r": W_r, "W_fc": W_fc, "b_fc": b_fc}

def reference(x, edge_index, W_l, b_l, W_r, W_fc, b_fc):
    # GraphSAGE (PyG) with num_layers=1 == single SAGEConv with mean aggregation
    src = edge_index[0]
    dst = edge_index[1]
    msg = jnp.take(x, src, axis=0)                      # gather source node features
    summed = jax.ops.segment_sum(msg, dst, num_segments=N)
    counts = jax.ops.segment_sum(jnp.ones((msg.shape[0], 1), dtype=x.dtype), dst, num_segments=N)
    mean_aggr = summed / jnp.clip(counts, 1.0, None)
    # SAGEConv: lin_l(aggr) + lin_r(x); bias lives in lin_l
    h = mean_aggr @ W_l.T + b_l + x @ W_r.T
    # fc + sigmoid + squeeze
    logits = h @ W_fc.T + b_fc
    probs = jax.nn.sigmoid(logits).squeeze()
    return (h, probs)

if __name__ == "__main__":
    import jax
    _d = setup_inputs()
    print(jax.jit(kernel)(*tuple(_d.values())))

</pallas_src>

<mosaic_0001>
#map = affine_map<(d0, d1) -> (0, 0)>
#map1 = affine_map<(d0, d1) -> (0, 0, 0, 0)>
#map2 = affine_map<(d0, d1) -> (0, 0, 0)>
module attributes {stable_mosaic.version = 14 : i64} {
  func.func @k(%arg0: i32, %arg1: i32, %arg2: memref<10000x144xf32, #tpu.memory_space<hbm>>, %arg3: memref<2x32x125x80xi32, #tpu.memory_space<hbm>>, %arg4: memref<632x144xf32, #tpu.memory_space<hbm>>, %arg5: memref<2x10112x144xf32, #tpu.memory_space<hbm>>, %arg6: memref<125x80xi32, #tpu.memory_space<vmem>>, %arg7: memref<125x80xi32, #tpu.memory_space<vmem>>, %arg8: memref<80x144xf32, #tpu.memory_space<vmem>>, %arg9: memref<10112x144xf32, #tpu.memory_space<vmem_shared>>, %arg10: memref<!tpu.dma_semaphore, #tpu.memory_space<semaphore_mem>>) attributes {dimension_semantics = [#tpu.dimension_semantics<core_parallel>, #tpu.dimension_semantics<subcore_parallel>], iteration_bounds = array<i64: 2, 16>, scalar_prefetch = 0 : i64, scratch_operands = 5 : i64, tpu.core_type = #tpu.core_type<sc_vector_subcore>, window_params = [{transform_indices = #map}, {transform_indices = #map1}, {transform_indices = #map}, {transform_indices = #map2}]} {
    %mul3A = arith.constant 16 : i32
    %mul3A_0 = arith.muli %arg0, %mul3A : i32
    %add3A = arith.addi %mul3A_0, %arg1 : i32
    %dma_start3A = arith.constant 0 : i32
    %dma_start3A_1 = arith.constant 0 : i32
    %dma_start3A_2 = arith.constant 0 : i32
    %dma_start3A_3 = tpu.memref_slice %arg3[%dma_start3A, %add3A, %dma_start3A_1, %dma_start3A_2] : memref<2x32x125x80xi32, #tpu.memory_space<hbm>> -> memref<1x1x125x80xi32, #tpu.memory_space<hbm>>
    %dma_start3A_4 = tpu.memref_squeeze %dma_start3A_3 : memref<1x1x125x80xi32, #tpu.memory_space<hbm>> -> memref<125x80xi32, #tpu.memory_space<hbm>>
    %dma_start3A_5 = arith.constant 0 : i32
    %dma_start3A_6 = arith.constant 0 : i32
    %dma_start3A_7 = tpu.memref_slice %arg3[%dma_start3A, %add3A, %dma_start3A_5, %dma_start3A_6] : memref<2x32x125x80xi32, #tpu.memory_space<hbm>> -> memref<1x1x125x80xi32, #tpu.memory_space<hbm>>
    %dma_start3A_8 = tpu.memref_squeeze %dma_start3A_7 : memref<1x1x125x80xi32, #tpu.memory_space<hbm>> -> memref<125x80xi32, #tpu.memory_space<hbm>>
    tpu.enqueue_dma source(%dma_start3A_8 : memref<125x80xi32, #tpu.memory_space<hbm>>) target(%arg6 : memref<125x80xi32, #tpu.memory_space<vmem>>) target_semaphore(%arg10 : memref<!tpu.dma_semaphore, #tpu.memory_space<semaphore_mem>>)
    %dma_start3A_9 = arith.constant 1 : i32
    %dma_start3A_10 = arith.constant 0 : i32
    %dma_start3A_11 = arith.constant 0 : i32
    %dma_start3A_12 = tpu.memref_slice %arg3[%dma_start3A_9, %add3A, %dma_start3A_10, %dma_start3A_11] : memref<2x32x125x80xi32, #tpu.memory_space<hbm>> -> memref<1x1x125x80xi32, #tpu.memory_space<hbm>>
    %dma_start3A_13 = tpu.memref_squeeze %dma_start3A_12 : memref<1x1x125x80xi32, #tpu.memory_space<hbm>> -> memref<125x80xi32, #tpu.memory_space<hbm>>
    %dma_start3A_14 = arith.constant 0 : i32
    %dma_start3A_15 = arith.constant 0 : i32
    %dma_start3A_16 = tpu.memref_slice %arg3[%dma_start3A_9, %add3A, %dma_start3A_14, %dma_start3A_15] : memref<2x32x125x80xi32, #tpu.memory_space<hbm>> -> memref<1x1x125x80xi32, #tpu.memory_space<hbm>>
    %dma_start3A_17 = tpu.memref_squeeze %dma_start3A_16 : memref<1x1x125x80xi32, #tpu.memory_space<hbm>> -> memref<125x80xi32, #tpu.memory_space<hbm>>
    tpu.enqueue_dma source(%dma_start3A_17 : memref<125x80xi32, #tpu.memory_space<hbm>>) target(%arg7 : memref<125x80xi32, #tpu.memory_space<vmem>>) target_semaphore(%arg10 : memref<!tpu.dma_semaphore, #tpu.memory_space<semaphore_mem>>)
    %mul3A_18 = arith.constant 632 : i32
    %mul3A_19 = arith.muli %arg1, %mul3A_18 : i32
    %dma_start3A_20 = arith.constant 0 : i32
    %dma_start3A_21 = tpu.memref_slice %arg9[%mul3A_19, %dma_start3A_20] : memref<10112x144xf32, #tpu.memory_space<vmem_shared>> -> memref<632x144xf32, #tpu.memory_space<vmem_shared>>
    tpu.enqueue_dma source(%arg4 : memref<632x144xf32, #tpu.memory_space<hbm>>) target(%dma_start3A_21 : memref<632x144xf32, #tpu.memory_space<vmem_shared>>) target_semaphore(%arg10 : memref<!tpu.dma_semaphore, #tpu.memory_space<semaphore_mem>>)
    %dma_wait3A = arith.constant 0 : i32
    %dma_wait3A_22 = arith.constant 0 : i32
    %dma_wait3A_23 = arith.constant 0 : i32
    %dma_wait3A_24 = tpu.memref_slice %arg3[%dma_wait3A, %add3A, %dma_wait3A_22, %dma_wait3A_23] : memref<2x32x125x80xi32, #tpu.memory_space<hbm>> -> memref<1x1x125x80xi32, #tpu.memory_space<hbm>>
    %dma_wait3A_25 = tpu.memref_squeeze %dma_wait3A_24 : memref<1x1x125x80xi32, #tpu.memory_space<hbm>> -> memref<125x80xi32, #tpu.memory_space<hbm>>
    %dma_wait3A_26 = arith.constant 0 : i32
    %dma_wait3A_27 = arith.constant 0 : i32
    %dma_wait3A_28 = tpu.memref_slice %arg3[%dma_wait3A, %add3A, %dma_wait3A_26, %dma_wait3A_27] : memref<2x32x125x80xi32, #tpu.memory_space<hbm>> -> memref<1x1x125x80xi32, #tpu.memory_space<hbm>>
    %dma_wait3A_29 = tpu.memref_squeeze %dma_wait3A_28 : memref<1x1x125x80xi32, #tpu.memory_space<hbm>> -> memref<125x80xi32, #tpu.memory_space<hbm>>
    tpu.wait_dma2 semaphore(%arg10 : memref<!tpu.dma_semaphore, #tpu.memory_space<semaphore_mem>>) src(%dma_wait3A_29 : memref<125x80xi32, #tpu.memory_space<hbm>>) dst(%arg6 : memref<125x80xi32, #tpu.memory_space<vmem>>)
    %dma_wait3A_30 = arith.constant 1 : i32
    %dma_wait3A_31 = arith.constant 0 : i32
    %dma_wait3A_32 = arith.constant 0 : i32
    %dma_wait3A_33 = tpu.memref_slice %arg3[%dma_wait3A_30, %add3A, %dma_wait3A_31, %dma_wait3A_32] : memref<2x32x125x80xi32, #tpu.memory_space<hbm>> -> memref<1x1x125x80xi32, #tpu.memory_space<hbm>>
    %dma_wait3A_34 = tpu.memref_squeeze %dma_wait3A_33 : memref<1x1x125x80xi32, #tpu.memory_space<hbm>> -> memref<125x80xi32, #tpu.memory_space<hbm>>
    %dma_wait3A_35 = arith.constant 0 : i32
    %dma_wait3A_36 = arith.constant 0 : i32
    %dma_wait3A_37 = tpu.memref_slice %arg3[%dma_wait3A_30, %add3A, %dma_wait3A_35, %dma_wait3A_36] : memref<2x32x125x80xi32, #tpu.memory_space<hbm>> -> memref<1x1x125x80xi32, #tpu.memory_space<hbm>>
    %dma_wait3A_38 = tpu.memref_squeeze %dma_wait3A_37 : memref<1x1x125x80xi32, #tpu.memory_space<hbm>> -> memref<125x80xi32, #tpu.memory_space<hbm>>
    tpu.wait_dma2 semaphore(%arg10 : memref<!tpu.dma_semaphore, #tpu.memory_space<semaphore_mem>>) src(%dma_wait3A_38 : memref<125x80xi32, #tpu.memory_space<hbm>>) dst(%arg7 : memref<125x80xi32, #tpu.memory_space<vmem>>)
    %dma_wait3A_39 = arith.constant 0 : i32
    %dma_wait3A_40 = tpu.memref_slice %arg9[%mul3A_19, %dma_wait3A_39] : memref<10112x144xf32, #tpu.memory_space<vmem_shared>> -> memref<632x144xf32, #tpu.memory_space<vmem_shared>>
    tpu.wait_dma2 semaphore(%arg10 : memref<!tpu.dma_semaphore, #tpu.memory_space<semaphore_mem>>) src(%arg4 : memref<632x144xf32, #tpu.memory_space<hbm>>) dst(%dma_wait3A_40 : memref<632x144xf32, #tpu.memory_space<vmem_shared>>)
    %barrier3A = arith.constant 0 : index
    tpu.barrier barrier_id(%barrier3A)
    %scan3A = arith.constant 0 : i32
    %scan3A_41 = arith.constant 0 : i32
    %scan3A_42 = arith.constant 125 : i32
    %scan3A_43 = arith.addi %scan3A_41, %scan3A_42 : i32
    %scan3A_44 = arith.constant 5 : i32
    scf.for %scan3A_49 = %scan3A_41 to %scan3A_43 step %scan3A_44  : i32 {
      %dma_start3A_50 = arith.constant 0 : i32
      %dma_start3A_51 = tpu.memref_slice %arg6[%scan3A_49, %dma_start3A_50] : memref<125x80xi32, #tpu.memory_space<vmem>> -> memref<1x80xi32, #tpu.memory_space<vmem>>
      %dma_start3A_52 = tpu.memref_squeeze %dma_start3A_51 : memref<1x80xi32, #tpu.memory_space<vmem>> -> memref<80xi32, #tpu.memory_space<vmem>>
      %dma_start3A_53 = arith.constant 0 : i32
      %dma_start3A_54 = arith.constant 0 : i32
      %dma_start3A_55 = tpu.memref_slice %arg2[%dma_start3A_53, %dma_start3A_54] : memref<10000x144xf32, #tpu.memory_space<hbm>> -> memref<10000x144xf32, #tpu.memory_space<hbm>>
      tpu.enqueue_indirect_dma source(%dma_start3A_55 : memref<10000x144xf32, #tpu.memory_space<hbm>>) target(%arg8 : memref<80x144xf32, #tpu.memory_space<vmem>>) offsets(%dma_start3A_52 : memref<80xi32, #tpu.memory_space<vmem>>) semaphore(%arg10 : memref<!tpu.dma_semaphore, #tpu.memory_space<semaphore_mem>>)
      %dma_wait3A_56 = arith.constant 0 : i32
      %dma_wait3A_57 = tpu.memref_slice %arg6[%scan3A_49, %dma_wait3A_56] : memref<125x80xi32, #tpu.memory_space<vmem>> -> memref<1x80xi32, #tpu.memory_space<vmem>>
      %dma_wait3A_58 = tpu.memref_squeeze %dma_wait3A_57 : memref<1x80xi32, #tpu.memory_space<vmem>> -> memref<80xi32, #tpu.memory_space<vmem>>
      %dma_wait3A_59 = arith.constant 0 : i32
      %dma_wait3A_60 = arith.constant 0 : i32
      %dma_wait3A_61 = tpu.memref_slice %arg2[%dma_wait3A_59, %dma_wait3A_60] : memref<10000x144xf32, #tpu.memory_space<hbm>> -> memref<10000x144xf32, #tpu.memory_space<hbm>>
      tpu.wait_indirect_dma semaphore(%arg10 : memref<!tpu.dma_semaphore, #tpu.memory_space<semaphore_mem>>) src(%dma_wait3A_61 : memref<10000x144xf32, #tpu.memory_space<hbm>>) dst(%arg8 : memref<80x144xf32, #tpu.memory_space<vmem>>)
      "tpu.region"() ({
        %run_scoped3A = tpu.sem_alloc : memref<!tpu.dma_semaphore, #tpu.memory_space<semaphore_mem>>
        %dma_start3A_118 = arith.constant 0 : i32
        %dma_start3A_119 = tpu.memref_slice %arg7[%scan3A_49, %dma_start3A_118] : memref<125x80xi32, #tpu.memory_space<vmem>> -> memref<1x80xi32, #tpu.memory_space<vmem>>
        %dma_start3A_120 = tpu.memref_squeeze %dma_start3A_119 : memref<1x80xi32, #tpu.memory_space<vmem>> -> memref<80xi32, #tpu.memory_space<vmem>>
        %dma_start3A_121 = arith.constant 0 : i32
        %dma_start3A_122 = arith.constant 0 : i32
        %dma_start3A_123 = tpu.memref_slice %arg9[%dma_start3A_121, %dma_start3A_122] : memref<10112x144xf32, #tpu.memory_space<vmem_shared>> -> memref<10112x144xf32, #tpu.memory_space<vmem_shared>>
        tpu.enqueue_indirect_dma source(%arg8 : memref<80x144xf32, #tpu.memory_space<vmem>>) target(%dma_start3A_123 : memref<10112x144xf32, #tpu.memory_space<vmem_shared>>) offsets(%dma_start3A_120 : memref<80xi32, #tpu.memory_space<vmem>>) semaphore(%run_scoped3A : memref<!tpu.dma_semaphore, #tpu.memory_space<semaphore_mem>>) {add = true}
        %dma_wait3A_124 = arith.constant 0 : i32
        %dma_wait3A_125 = tpu.memref_slice %arg7[%scan3A_49, %dma_wait3A_124] : memref<125x80xi32, #tpu.memory_space<vmem>> -> memref<1x80xi32, #tpu.memory_space<vmem>>
        %dma_wait3A_126 = tpu.memref_squeeze %dma_wait3A_125 : memref<1x80xi32, #tpu.memory_space<vmem>> -> memref<80xi32, #tpu.memory_space<vmem>>
        %dma_wait3A_127 = arith.constant 0 : i32
        %dma_wait3A_128 = arith.constant 0 : i32
        %dma_wait3A_129 = tpu.memref_slice %arg9[%dma_wait3A_127, %dma_wait3A_128] : memref<10112x144xf32, #tpu.memory_space<vmem_shared>> -> memref<10112x144xf32, #tpu.memory_space<vmem_shared>>
        tpu.wait_indirect_dma semaphore(%run_scoped3A : memref<!tpu.dma_semaphore, #tpu.memory_space<semaphore_mem>>) src(%arg8 : memref<80x144xf32, #tpu.memory_space<vmem>>) dst(%dma_wait3A_129 : memref<10112x144xf32, #tpu.memory_space<vmem_shared>>)
        tpu.yield
      }) : () -> ()
      %scan3A_62 = arith.constant 1 : i32
      %scan3A_63 = arith.addi %scan3A_49, %scan3A_62 : i32
      %dma_start3A_64 = arith.constant 0 : i32
      %dma_start3A_65 = tpu.memref_slice %arg6[%scan3A_63, %dma_start3A_64] : memref<125x80xi32, #tpu.memory_space<vmem>> -> memref<1x80xi32, #tpu.memory_space<vmem>>
      %dma_start3A_66 = tpu.memref_squeeze %dma_start3A_65 : memref<1x80xi32, #tpu.memory_space<vmem>> -> memref<80xi32, #tpu.memory_space<vmem>>
      %dma_start3A_67 = arith.constant 0 : i32
      %dma_start3A_68 = arith.constant 0 : i32
      %dma_start3A_69 = tpu.memref_slice %arg2[%dma_start3A_67, %dma_start3A_68] : memref<10000x144xf32, #tpu.memory_space<hbm>> -> memref<10000x144xf32, #tpu.memory_space<hbm>>
      tpu.enqueue_indirect_dma source(%dma_start3A_69 : memref<10000x144xf32, #tpu.memory_space<hbm>>) target(%arg8 : memref<80x144xf32, #tpu.memory_space<vmem>>) offsets(%dma_start3A_66 : memref<80xi32, #tpu.memory_space<vmem>>) semaphore(%arg10 : memref<!tpu.dma_semaphore, #tpu.memory_space<semaphore_mem>>)
      %dma_wait3A_70 = arith.constant 0 : i32
      %dma_wait3A_71 = tpu.memref_slice %arg6[%scan3A_63, %dma_wait3A_70] : memref<125x80xi32, #tpu.memory_space<vmem>> -> memref<1x80xi32, #tpu.memory_space<vmem>>
      %dma_wait3A_72 = tpu.memref_squeeze %dma_wait3A_71 : memref<1x80xi32, #tpu.memory_space<vmem>> -> memref<80xi32, #tpu.memory_space<vmem>>
      %dma_wait3A_73 = arith.constant 0 : i32
      %dma_wait3A_74 = arith.constant 0 : i32
      %dma_wait3A_75 = tpu.memref_slice %arg2[%dma_wait3A_73, %dma_wait3A_74] : memref<10000x144xf32, #tpu.memory_space<hbm>> -> memref<10000x144xf32, #tpu.memory_space<hbm>>
      tpu.wait_indirect_dma semaphore(%arg10 : memref<!tpu.dma_semaphore, #tpu.memory_space<semaphore_mem>>) src(%dma_wait3A_75 : memref<10000x144xf32, #tpu.memory_space<hbm>>) dst(%arg8 : memref<80x144xf32, #tpu.memory_space<vmem>>)
      "tpu.region"() ({
        %run_scoped3A = tpu.sem_alloc : memref<!tpu.dma_semaphore, #tpu.memory_space<semaphore_mem>>
        %dma_start3A_118 = arith.constant 0 : i32
        %dma_start3A_119 = tpu.memref_slice %arg7[%scan3A_63, %dma_start3A_118] : memref<125x80xi32, #tpu.memory_space<vmem>> -> memref<1x80xi32, #tpu.memory_space<vmem>>
        %dma_start3A_120 = tpu.memref_squeeze %dma_start3A_119 : memref<1x80xi32, #tpu.memory_space<vmem>> -> memref<80xi32, #tpu.memory_space<vmem>>
        %dma_start3A_121 = arith.constant 0 : i32
        %dma_start3A_122 = arith.constant 0 : i32
        %dma_start3A_123 = tpu.memref_slice %arg9[%dma_start3A_121, %dma_start3A_122] : memref<10112x144xf32, #tpu.memory_space<vmem_shared>> -> memref<10112x144xf32, #tpu.memory_space<vmem_shared>>
        tpu.enqueue_indirect_dma source(%arg8 : memref<80x144xf32, #tpu.memory_space<vmem>>) target(%dma_start3A_123 : memref<10112x144xf32, #tpu.memory_space<vmem_shared>>) offsets(%dma_start3A_120 : memref<80xi32, #tpu.memory_space<vmem>>) semaphore(%run_scoped3A : memref<!tpu.dma_semaphore, #tpu.memory_space<semaphore_mem>>) {add = true}
        %dma_wait3A_124 = arith.constant 0 : i32
        %dma_wait3A_125 = tpu.memref_slice %arg7[%scan3A_63, %dma_wait3A_124] : memref<125x80xi32, #tpu.memory_space<vmem>> -> memref<1x80xi32, #tpu.memory_space<vmem>>
        %dma_wait3A_126 = tpu.memref_squeeze %dma_wait3A_125 : memref<1x80xi32, #tpu.memory_space<vmem>> -> memref<80xi32, #tpu.memory_space<vmem>>
        %dma_wait3A_127 = arith.constant 0 : i32
        %dma_wait3A_128 = arith.constant 0 : i32
        %dma_wait3A_129 = tpu.memref_slice %arg9[%dma_wait3A_127, %dma_wait3A_128] : memref<10112x144xf32, #tpu.memory_space<vmem_shared>> -> memref<10112x144xf32, #tpu.memory_space<vmem_shared>>
        tpu.wait_indirect_dma semaphore(%run_scoped3A : memref<!tpu.dma_semaphore, #tpu.memory_space<semaphore_mem>>) src(%arg8 : memref<80x144xf32, #tpu.memory_space<vmem>>) dst(%dma_wait3A_129 : memref<10112x144xf32, #tpu.memory_space<vmem_shared>>)
        tpu.yield
      }) : () -> ()
      %scan3A_76 = arith.constant 2 : i32
      %scan3A_77 = arith.addi %scan3A_49, %scan3A_76 : i32
      %dma_start3A_78 = arith.constant 0 : i32
      %dma_start3A_79 = tpu.memref_slice %arg6[%scan3A_77, %dma_start3A_78] : memref<125x80xi32, #tpu.memory_space<vmem>> -> memref<1x80xi32, #tpu.memory_space<vmem>>
      %dma_start3A_80 = tpu.memref_squeeze %dma_start3A_79 : memref<1x80xi32, #tpu.memory_space<vmem>> -> memref<80xi32, #tpu.memory_space<vmem>>
      %dma_start3A_81 = arith.constant 0 : i32
      %dma_start3A_82 = arith.constant 0 : i32
      %dma_start3A_83 = tpu.memref_slice %arg2[%dma_start3A_81, %dma_start3A_82] : memref<10000x144xf32, #tpu.memory_space<hbm>> -> memref<10000x144xf32, #tpu.memory_space<hbm>>
      tpu.enqueue_indirect_dma source(%dma_start3A_83 : memref<10000x144xf32, #tpu.memory_space<hbm>>) target(%arg8 : memref<80x144xf32, #tpu.memory_space<vmem>>) offsets(%dma_start3A_80 : memref<80xi32, #tpu.memory_space<vmem>>) semaphore(%arg10 : memref<!tpu.dma_semaphore, #tpu.memory_space<semaphore_mem>>)
      %dma_wait3A_84 = arith.constant 0 : i32
      %dma_wait3A_85 = tpu.memref_slice %arg6[%scan3A_77, %dma_wait3A_84] : memref<125x80xi32, #tpu.memory_space<vmem>> -> memref<1x80xi32, #tpu.memory_space<vmem>>
      %dma_wait3A_86 = tpu.memref_squeeze %dma_wait3A_85 : memref<1x80xi32, #tpu.memory_space<vmem>> -> memref<80xi32, #tpu.memory_space<vmem>>
      %dma_wait3A_87 = arith.constant 0 : i32
      %dma_wait3A_88 = arith.constant 0 : i32
      %dma_wait3A_89 = tpu.memref_slice %arg2[%dma_wait3A_87, %dma_wait3A_88] : memref<10000x144xf32, #tpu.memory_space<hbm>> -> memref<10000x144xf32, #tpu.memory_space<hbm>>
      tpu.wait_indirect_dma semaphore(%arg10 : memref<!tpu.dma_semaphore, #tpu.memory_space<semaphore_mem>>) src(%dma_wait3A_89 : memref<10000x144xf32, #tpu.memory_space<hbm>>) dst(%arg8 : memref<80x144xf32, #tpu.memory_space<vmem>>)
      "tpu.region"() ({
        %run_scoped3A = tpu.sem_alloc : memref<!tpu.dma_semaphore, #tpu.memory_space<semaphore_mem>>
        %dma_start3A_118 = arith.constant 0 : i32
        %dma_start3A_119 = tpu.memref_slice %arg7[%scan3A_77, %dma_start3A_118] : memref<125x80xi32, #tpu.memory_space<vmem>> -> memref<1x80xi32, #tpu.memory_space<vmem>>
        %dma_start3A_120 = tpu.memref_squeeze %dma_start3A_119 : memref<1x80xi32, #tpu.memory_space<vmem>> -> memref<80xi32, #tpu.memory_space<vmem>>
        %dma_start3A_121 = arith.constant 0 : i32
        %dma_start3A_122 = arith.constant 0 : i32
        %dma_start3A_123 = tpu.memref_slice %arg9[%dma_start3A_121, %dma_start3A_122] : memref<10112x144xf32, #tpu.memory_space<vmem_shared>> -> memref<10112x144xf32, #tpu.memory_space<vmem_shared>>
        tpu.enqueue_indirect_dma source(%arg8 : memref<80x144xf32, #tpu.memory_space<vmem>>) target(%dma_start3A_123 : memref<10112x144xf32, #tpu.memory_space<vmem_shared>>) offsets(%dma_start3A_120 : memref<80xi32, #tpu.memory_space<vmem>>) semaphore(%run_scoped3A : memref<!tpu.dma_semaphore, #tpu.memory_space<semaphore_mem>>) {add = true}
        %dma_wait3A_124 = arith.constant 0 : i32
        %dma_wait3A_125 = tpu.memref_slice %arg7[%scan3A_77, %dma_wait3A_124] : memref<125x80xi32, #tpu.memory_space<vmem>> -> memref<1x80xi32, #tpu.memory_space<vmem>>
        %dma_wait3A_126 = tpu.memref_squeeze %dma_wait3A_125 : memref<1x80xi32, #tpu.memory_space<vmem>> -> memref<80xi32, #tpu.memory_space<vmem>>
        %dma_wait3A_127 = arith.constant 0 : i32
        %dma_wait3A_128 = arith.constant 0 : i32
        %dma_wait3A_129 = tpu.memref_slice %arg9[%dma_wait3A_127, %dma_wait3A_128] : memref<10112x144xf32, #tpu.memory_space<vmem_shared>> -> memref<10112x144xf32, #tpu.memory_space<vmem_shared>>
        tpu.wait_indirect_dma semaphore(%run_scoped3A : memref<!tpu.dma_semaphore, #tpu.memory_space<semaphore_mem>>) src(%arg8 : memref<80x144xf32, #tpu.memory_space<vmem>>) dst(%dma_wait3A_129 : memref<10112x144xf32, #tpu.memory_space<vmem_shared>>)
        tpu.yield
      }) : () -> ()
      %scan3A_90 = arith.constant 3 : i32
      %scan3A_91 = arith.addi %scan3A_49, %scan3A_90 : i32
      %dma_start3A_92 = arith.constant 0 : i32
      %dma_start3A_93 = tpu.memref_slice %arg6[%scan3A_91, %dma_start3A_92] : memref<125x80xi32, #tpu.memory_space<vmem>> -> memref<1x80xi32, #tpu.memory_space<vmem>>
      %dma_start3A_94 = tpu.memref_squeeze %dma_start3A_93 : memref<1x80xi32, #tpu.memory_space<vmem>> -> memref<80xi32, #tpu.memory_space<vmem>>
      %dma_start3A_95 = arith.constant 0 : i32
      %dma_start3A_96 = arith.constant 0 : i32
      %dma_start3A_97 = tpu.memref_slice %arg2[%dma_start3A_95, %dma_start3A_96] : memref<10000x144xf32, #tpu.memory_space<hbm>> -> memref<10000x144xf32, #tpu.memory_space<hbm>>
      tpu.enqueue_indirect_dma source(%dma_start3A_97 : memref<10000x144xf32, #tpu.memory_space<hbm>>) target(%arg8 : memref<80x144xf32, #tpu.memory_space<vmem>>) offsets(%dma_start3A_94 : memref<80xi32, #tpu.memory_space<vmem>>) semaphore(%arg10 : memref<!tpu.dma_semaphore, #tpu.memory_space<semaphore_mem>>)
      %dma_wait3A_98 = arith.constant 0 : i32
      %dma_wait3A_99 = tpu.memref_slice %arg6[%scan3A_91, %dma_wait3A_98] : memref<125x80xi32, #tpu.memory_space<vmem>> -> memref<1x80xi32, #tpu.memory_space<vmem>>
      %dma_wait3A_100 = tpu.memref_squeeze %dma_wait3A_99 : memref<1x80xi32, #tpu.memory_space<vmem>> -> memref<80xi32, #tpu.memory_space<vmem>>
      %dma_wait3A_101 = arith.constant 0 : i32
      %dma_wait3A_102 = arith.constant 0 : i32
      %dma_wait3A_103 = tpu.memref_slice %arg2[%dma_wait3A_101, %dma_wait3A_102] : memref<10000x144xf32, #tpu.memory_space<hbm>> -> memref<10000x144xf32, #tpu.memory_space<hbm>>
      tpu.wait_indirect_dma semaphore(%arg10 : memref<!tpu.dma_semaphore, #tpu.memory_space<semaphore_mem>>) src(%dma_wait3A_103 : memref<10000x144xf32, #tpu.memory_space<hbm>>) dst(%arg8 : memref<80x144xf32, #tpu.memory_space<vmem>>)
      "tpu.region"() ({
        %run_scoped3A = tpu.sem_alloc : memref<!tpu.dma_semaphore, #tpu.memory_space<semaphore_mem>>
        %dma_start3A_118 = arith.constant 0 : i32
        %dma_start3A_119 = tpu.memref_slice %arg7[%scan3A_91, %dma_start3A_118] : memref<125x80xi32, #tpu.memory_space<vmem>> -> memref<1x80xi32, #tpu.memory_space<vmem>>
        %dma_start3A_120 = tpu.memref_squeeze %dma_start3A_119 : memref<1x80xi32, #tpu.memory_space<vmem>> -> memref<80xi32, #tpu.memory_space<vmem>>
        %dma_start3A_121 = arith.constant 0 : i32
        %dma_start3A_122 = arith.constant 0 : i32
        %dma_start3A_123 = tpu.memref_slice %arg9[%dma_start3A_121, %dma_start3A_122] : memref<10112x144xf32, #tpu.memory_space<vmem_shared>> -> memref<10112x144xf32, #tpu.memory_space<vmem_shared>>
        tpu.enqueue_indirect_dma source(%arg8 : memref<80x144xf32, #tpu.memory_space<vmem>>) target(%dma_start3A_123 : memref<10112x144xf32, #tpu.memory_space<vmem_shared>>) offsets(%dma_start3A_120 : memref<80xi32, #tpu.memory_space<vmem>>) semaphore(%run_scoped3A : memref<!tpu.dma_semaphore, #tpu.memory_space<semaphore_mem>>) {add = true}
        %dma_wait3A_124 = arith.constant 0 : i32
        %dma_wait3A_125 = tpu.memref_slice %arg7[%scan3A_91, %dma_wait3A_124] : memref<125x80xi32, #tpu.memory_space<vmem>> -> memref<1x80xi32, #tpu.memory_space<vmem>>
        %dma_wait3A_126 = tpu.memref_squeeze %dma_wait3A_125 : memref<1x80xi32, #tpu.memory_space<vmem>> -> memref<80xi32, #tpu.memory_space<vmem>>
        %dma_wait3A_127 = arith.constant 0 : i32
        %dma_wait3A_128 = arith.constant 0 : i32
        %dma_wait3A_129 = tpu.memref_slice %arg9[%dma_wait3A_127, %dma_wait3A_128] : memref<10112x144xf32, #tpu.memory_space<vmem_shared>> -> memref<10112x144xf32, #tpu.memory_space<vmem_shared>>
        tpu.wait_indirect_dma semaphore(%run_scoped3A : memref<!tpu.dma_semaphore, #tpu.memory_space<semaphore_mem>>) src(%arg8 : memref<80x144xf32, #tpu.memory_space<vmem>>) dst(%dma_wait3A_129 : memref<10112x144xf32, #tpu.memory_space<vmem_shared>>)
        tpu.yield
      }) : () -> ()
      %scan3A_104 = arith.constant 4 : i32
      %scan3A_105 = arith.addi %scan3A_49, %scan3A_104 : i32
      %dma_start3A_106 = arith.constant 0 : i32
      %dma_start3A_107 = tpu.memref_slice %arg6[%scan3A_105, %dma_start3A_106] : memref<125x80xi32, #tpu.memory_space<vmem>> -> memref<1x80xi32, #tpu.memory_space<vmem>>
      %dma_start3A_108 = tpu.memref_squeeze %dma_start3A_107 : memref<1x80xi32, #tpu.memory_space<vmem>> -> memref<80xi32, #tpu.memory_space<vmem>>
      %dma_start3A_109 = arith.constant 0 : i32
      %dma_start3A_110 = arith.constant 0 : i32
      %dma_start3A_111 = tpu.memref_slice %arg2[%dma_start3A_109, %dma_start3A_110] : memref<10000x144xf32, #tpu.memory_space<hbm>> -> memref<10000x144xf32, #tpu.memory_space<hbm>>
      tpu.enqueue_indirect_dma source(%dma_start3A_111 : memref<10000x144xf32, #tpu.memory_space<hbm>>) target(%arg8 : memref<80x144xf32, #tpu.memory_space<vmem>>) offsets(%dma_start3A_108 : memref<80xi32, #tpu.memory_space<vmem>>) semaphore(%arg10 : memref<!tpu.dma_semaphore, #tpu.memory_space<semaphore_mem>>)
      %dma_wait3A_112 = arith.constant 0 : i32
      %dma_wait3A_113 = tpu.memref_slice %arg6[%scan3A_105, %dma_wait3A_112] : memref<125x80xi32, #tpu.memory_space<vmem>> -> memref<1x80xi32, #tpu.memory_space<vmem>>
      %dma_wait3A_114 = tpu.memref_squeeze %dma_wait3A_113 : memref<1x80xi32, #tpu.memory_space<vmem>> -> memref<80xi32, #tpu.memory_space<vmem>>
      %dma_wait3A_115 = arith.constant 0 : i32
      %dma_wait3A_116 = arith.constant 0 : i32
      %dma_wait3A_117 = tpu.memref_slice %arg2[%dma_wait3A_115, %dma_wait3A_116] : memref<10000x144xf32, #tpu.memory_space<hbm>> -> memref<10000x144xf32, #tpu.memory_space<hbm>>
      tpu.wait_indirect_dma semaphore(%arg10 : memref<!tpu.dma_semaphore, #tpu.memory_space<semaphore_mem>>) src(%dma_wait3A_117 : memref<10000x144xf32, #tpu.memory_space<hbm>>) dst(%arg8 : memref<80x144xf32, #tpu.memory_space<vmem>>)
      "tpu.region"() ({
        %run_scoped3A = tpu.sem_alloc : memref<!tpu.dma_semaphore, #tpu.memory_space<semaphore_mem>>
        %dma_start3A_118 = arith.constant 0 : i32
        %dma_start3A_119 = tpu.memref_slice %arg7[%scan3A_105, %dma_start3A_118] : memref<125x80xi32, #tpu.memory_space<vmem>> -> memref<1x80xi32, #tpu.memory_space<vmem>>
        %dma_start3A_120 = tpu.memref_squeeze %dma_start3A_119 : memref<1x80xi32, #tpu.memory_space<vmem>> -> memref<80xi32, #tpu.memory_space<vmem>>
        %dma_start3A_121 = arith.constant 0 : i32
        %dma_start3A_122 = arith.constant 0 : i32
        %dma_start3A_123 = tpu.memref_slice %arg9[%dma_start3A_121, %dma_start3A_122] : memref<10112x144xf32, #tpu.memory_space<vmem_shared>> -> memref<10112x144xf32, #tpu.memory_space<vmem_shared>>
        tpu.enqueue_indirect_dma source(%arg8 : memref<80x144xf32, #tpu.memory_space<vmem>>) target(%dma_start3A_123 : memref<10112x144xf32, #tpu.memory_space<vmem_shared>>) offsets(%dma_start3A_120 : memref<80xi32, #tpu.memory_space<vmem>>) semaphore(%run_scoped3A : memref<!tpu.dma_semaphore, #tpu.memory_space<semaphore_mem>>) {add = true}
        %dma_wait3A_124 = arith.constant 0 : i32
        %dma_wait3A_125 = tpu.memref_slice %arg7[%scan3A_105, %dma_wait3A_124] : memref<125x80xi32, #tpu.memory_space<vmem>> -> memref<1x80xi32, #tpu.memory_space<vmem>>
        %dma_wait3A_126 = tpu.memref_squeeze %dma_wait3A_125 : memref<1x80xi32, #tpu.memory_space<vmem>> -> memref<80xi32, #tpu.memory_space<vmem>>
        %dma_wait3A_127 = arith.constant 0 : i32
        %dma_wait3A_128 = arith.constant 0 : i32
        %dma_wait3A_129 = tpu.memref_slice %arg9[%dma_wait3A_127, %dma_wait3A_128] : memref<10112x144xf32, #tpu.memory_space<vmem_shared>> -> memref<10112x144xf32, #tpu.memory_space<vmem_shared>>
        tpu.wait_indirect_dma semaphore(%run_scoped3A : memref<!tpu.dma_semaphore, #tpu.memory_space<semaphore_mem>>) src(%arg8 : memref<80x144xf32, #tpu.memory_space<vmem>>) dst(%dma_wait3A_129 : memref<10112x144xf32, #tpu.memory_space<vmem_shared>>)
        tpu.yield
      }) : () -> ()
    }
    %scan3A_45 = arith.constant 125 : i32
    %barrier3A_46 = arith.constant 0 : index
    tpu.barrier barrier_id(%barrier3A_46)
    %mul3A_47 = arith.constant 632 : i32
    %mul3A_48 = arith.muli %arg1, %mul3A_47 : i32
    "tpu.region"() ({
      %run_scoped3A = tpu.sem_alloc : memref<!tpu.dma_semaphore, #tpu.memory_space<semaphore_mem>>
      %dma_start3A_49 = arith.constant 0 : i32
      %dma_start3A_50 = tpu.memref_slice %arg5[%arg0, %mul3A_48, %dma_start3A_49] : memref<2x10112x144xf32, #tpu.memory_space<hbm>> -> memref<1x632x144xf32, #tpu.memory_space<hbm>>
      %dma_start3A_51 = tpu.memref_squeeze %dma_start3A_50 : memref<1x632x144xf32, #tpu.memory_space<hbm>> -> memref<632x144xf32, #tpu.memory_space<hbm>>
      %dma_start3A_52 = arith.constant 0 : i32
      %dma_start3A_53 = tpu.memref_slice %arg9[%mul3A_48, %dma_start3A_52] : memref<10112x144xf32, #tpu.memory_space<vmem_shared>> -> memref<632x144xf32, #tpu.memory_space<vmem_shared>>
      tpu.enqueue_dma source(%dma_start3A_53 : memref<632x144xf32, #tpu.memory_space<vmem_shared>>) target(%dma_start3A_51 : memref<632x144xf32, #tpu.memory_space<hbm>>) target_semaphore(%run_scoped3A : memref<!tpu.dma_semaphore, #tpu.memory_space<semaphore_mem>>)
      %dma_wait3A_54 = arith.constant 0 : i32
      %dma_wait3A_55 = tpu.memref_slice %arg5[%arg0, %mul3A_48, %dma_wait3A_54] : memref<2x10112x144xf32, #tpu.memory_space<hbm>> -> memref<1x632x144xf32, #tpu.memory_space<hbm>>
      %dma_wait3A_56 = tpu.memref_squeeze %dma_wait3A_55 : memref<1x632x144xf32, #tpu.memory_space<hbm>> -> memref<632x144xf32, #tpu.memory_space<hbm>>
      %dma_wait3A_57 = arith.constant 0 : i32
      %dma_wait3A_58 = tpu.memref_slice %arg9[%mul3A_48, %dma_wait3A_57] : memref<10112x144xf32, #tpu.memory_space<vmem_shared>> -> memref<632x144xf32, #tpu.memory_space<vmem_shared>>
      tpu.wait_dma2 semaphore(%run_scoped3A : memref<!tpu.dma_semaphore, #tpu.memory_space<semaphore_mem>>) src(%dma_wait3A_58 : memref<632x144xf32, #tpu.memory_space<vmem_shared>>) dst(%dma_wait3A_56 : memref<632x144xf32, #tpu.memory_space<hbm>>)
      tpu.yield
    }) : () -> ()
    return
  }
}

module attributes {stable_mosaic.version = 14 : i64} {
  func.func @_tc_body(%arg0: i32, %arg1: memref<2x2000x144xf32, #tpu.memory_space<vmem>>, %arg2: memref<2000x128xf32, #tpu.memory_space<vmem>>, %arg3: memref<128x128xf32, #tpu.memory_space<vmem>>, %arg4: memref<1x128xf32, #tpu.memory_space<vmem>>, %arg5: memref<128x128xf32, #tpu.memory_space<vmem>>, %arg6: memref<128x1xf32, #tpu.memory_space<vmem>>, %arg7: memref<1x1xf32, #tpu.memory_space<vmem>>, %arg8: memref<2000x128xf32, #tpu.memory_space<vmem>>, %arg9: memref<2000x1xf32, #tpu.memory_space<vmem>>) attributes {dimension_semantics = [#tpu.dimension_semantics<arbitrary>], iteration_bounds = array<i64: 5>, scalar_prefetch = 0 : i64, scratch_operands = 0 : i64, tpu.core_type = #tpu.core_type<tc>, window_params = [{transform_indices = @transform_0, window_bounds = array<i64: 2, 2000, 144>}, {transform_indices = @transform_1, window_bounds = array<i64: 2000, 128>}, {pipeline_mode = #tpu.pipeline_mode<synchronous>, transform_indices = @transform_2, window_bounds = array<i64: 128, 128>}, {pipeline_mode = #tpu.pipeline_mode<synchronous>, transform_indices = @transform_3, window_bounds = array<i64: 1, 128>}, {pipeline_mode = #tpu.pipeline_mode<synchronous>, transform_indices = @transform_4, window_bounds = array<i64: 128, 128>}, {pipeline_mode = #tpu.pipeline_mode<synchronous>, transform_indices = @transform_5, window_bounds = array<i64: 128, 1>}, {pipeline_mode = #tpu.pipeline_mode<synchronous>, transform_indices = @transform_6, window_bounds = array<i64: 1, 1>}, {transform_indices = @transform_7, window_bounds = array<i64: 2000, 128>}, {transform_indices = @transform_8, window_bounds = array<i64: 2000, 1>}]} {
    %get3A = arith.constant 0 : index
    %get3A_0 = arith.constant 0 : index
    %get3A_1 = arith.constant 0 : index
    %get3A_2 = vector.load %arg1[%get3A, %get3A_0, %get3A_1] : memref<2x2000x144xf32, #tpu.memory_space<vmem>>, vector<1x2000x144xf32>
    %get3A_3 = vector.shape_cast %get3A_2 : vector<1x2000x144xf32> to vector<2000x144xf32>
    %get3A_4 = arith.constant 1 : index
    %get3A_5 = arith.constant 0 : index
    %get3A_6 = arith.constant 0 : index
    %get3A_7 = vector.load %arg1[%get3A_4, %get3A_5, %get3A_6] : memref<2x2000x144xf32, #tpu.memory_space<vmem>>, vector<1x2000x144xf32>
    %get3A_8 = vector.shape_cast %get3A_7 : vector<1x2000x144xf32> to vector<2000x144xf32>
    %add3A = arith.addf %get3A_3, %get3A_8 : vector<2000x144xf32>
    %slice3A = vector.extract_strided_slice %add3A {offsets = [0, 0], sizes = [2000, 128], strides = [1, 1]} : vector<2000x144xf32> to vector<2000x128xf32>
    %slice3A_9 = vector.extract_strided_slice %add3A {offsets = [0, 128], sizes = [2000, 1], strides = [1, 1]} : vector<2000x144xf32> to vector<2000x1xf32>
    %max3A = arith.constant 1.000000e+00 : f32
    %max3A_10 = vector.broadcast %max3A : f32 to vector<2000x1xf32>
    %max3A_11 = arith.maximumf %slice3A_9, %max3A_10 : vector<2000x1xf32>
    %div3A = vector.broadcast %max3A_11 : vector<2000x1xf32> to vector<2000x128xf32>
    %div3A_12 = arith.divf %slice3A, %div3A : vector<2000x128xf32>
    %get3A_13 = arith.constant 0 : index
    %get3A_14 = arith.constant 0 : index
    %get3A_15 = vector.load %arg3[%get3A_13, %get3A_14] : memref<128x128xf32, #tpu.memory_space<vmem>>, vector<128x128xf32>
    %dot_general3A = arith.constant dense<0.000000e+00> : vector<2000x128xf32>
    %dot_general3A_16 = tpu.matmul %div3A_12, %get3A_15, %dot_general3A {dimension_numbers = #tpu.dot_dimension_numbers<[1], [0], [0], [1], [0, 0, 1, 1], [], []>, transpose_lhs_hint = false} : vector<2000x128xf32>, vector<128x128xf32>, vector<2000x128xf32> -> vector<2000x128xf32>
    %get3A_17 = arith.constant 0 : index
    %get3A_18 = arith.constant 0 : index
    %get3A_19 = vector.load %arg4[%get3A_17, %get3A_18] : memref<1x128xf32, #tpu.memory_space<vmem>>, vector<1x128xf32>
    %add3A_20 = vector.broadcast %get3A_19 : vector<1x128xf32> to vector<2000x128xf32>
    %add3A_21 = arith.addf %dot_general3A_16, %add3A_20 : vector<2000x128xf32>
    %get3A_22 = arith.constant 0 : index
    %get3A_23 = arith.constant 0 : index
    %get3A_24 = vector.load %arg2[%get3A_22, %get3A_23] : memref<2000x128xf32, #tpu.memory_space<vmem>>, vector<2000x128xf32>
    %get3A_25 = arith.constant 0 : index
    %get3A_26 = arith.constant 0 : index
    %get3A_27 = vector.load %arg5[%get3A_25, %get3A_26] : memref<128x128xf32, #tpu.memory_space<vmem>>, vector<128x128xf32>
    %dot_general3A_28 = arith.constant dense<0.000000e+00> : vector<2000x128xf32>
    %dot_general3A_29 = tpu.matmul %get3A_24, %get3A_27, %dot_general3A_28 {dimension_numbers = #tpu.dot_dimension_numbers<[1], [0], [0], [1], [0, 0, 1, 1], [], []>, transpose_lhs_hint = false} : vector<2000x128xf32>, vector<128x128xf32>, vector<2000x128xf32> -> vector<2000x128xf32>
    %add3A_30 = arith.addf %add3A_21, %dot_general3A_29 : vector<2000x128xf32>
    %swap3A = arith.constant 0 : index
    %swap3A_31 = arith.constant 0 : index
    %swap3A_32 = vector.load %arg8[%swap3A, %swap3A_31] : memref<2000x128xf32, #tpu.memory_space<vmem>>, vector<2000x128xf32>
    tpu.vector_store %arg8[%swap3A, %swap3A_31], %add3A_30 {strides = array<i32>} : memref<2000x128xf32, #tpu.memory_space<vmem>>, vector<2000x128xf32>,
    %get3A_33 = arith.constant 0 : index
    %get3A_34 = arith.constant 0 : index
    %get3A_35 = vector.load %arg6[%get3A_33, %get3A_34] : memref<128x1xf32, #tpu.memory_space<vmem>>, vector<128x1xf32>
    %dot_general3A_36 = arith.constant dense<0.000000e+00> : vector<2000x1xf32>
    %dot_general3A_37 = tpu.matmul %add3A_30, %get3A_35, %dot_general3A_36 {dimension_numbers = #tpu.dot_dimension_numbers<[1], [0], [0], [1], [0, 0, 1, 1], [], []>, transpose_lhs_hint = false} : vector<2000x128xf32>, vector<128x1xf32>, vector<2000x1xf32> -> vector<2000x1xf32>
    %get3A_38 = arith.constant 0 : index
    %get3A_39 = arith.constant 0 : index
    %get3A_40 = vector.load %arg7[%get3A_38, %get3A_39] : memref<1x1xf32, #tpu.memory_space<vmem>>, vector<1x1xf32>
    %add3A_41 = vector.broadcast %get3A_40 : vector<1x1xf32> to vector<2000x1xf32>
    %add3A_42 = arith.addf %dot_general3A_37, %add3A_41 : vector<2000x1xf32>
    %logistic3A = arith.negf %add3A_42 : vector<2000x1xf32>
    %logistic3A_43 = math.exp %logistic3A : vector<2000x1xf32>
    %logistic3A_44 = arith.constant 1.000000e+00 : f32
    %logistic3A_45 = vector.broadcast %logistic3A_44 : f32 to vector<2000x1xf32>
    %logistic3A_46 = arith.addf %logistic3A_45, %logistic3A_43 : vector<2000x1xf32>
    %logistic3A_47 = arith.divf %logistic3A_45, %logistic3A_46 : vector<2000x1xf32>
    %swap3A_48 = arith.constant 0 : index
    %swap3A_49 = arith.constant 0 : index
    %swap3A_50 = vector.load %arg9[%swap3A_48, %swap3A_49] : memref<2000x1xf32, #tpu.memory_space<vmem>>, vector<2000x1xf32>
    tpu.vector_store %arg9[%swap3A_48, %swap3A_49], %logistic3A_47 {strides = array<i32>} : memref<2000x1xf32, #tpu.memory_space<vmem>>, vector<2000x1xf32>,
    return
  }
  func.func @transform_0(%arg0: i32) -> (i32, i32, i32) {
    %c0_i32 = arith.constant 0 : i32
    %c0_i32_0 = arith.constant 0 : i32
    %c0_i32_1 = arith.constant 0 : i32
    return %c0_i32, %arg0, %c0_i32_0 : i32, i32, i32
  }
  func.func @transform_1(%arg0: i32) -> (i32, i32) {
    %c0_i32 = arith.constant 0 : i32
    %c0_i32_0 = arith.constant 0 : i32
    return %arg0, %c0_i32 : i32, i32
  }
  func.func @transform_2(%arg0: i32) -> (i32, i32) {
    %c0_i32 = arith.constant 0 : i32
    %c0_i32_0 = arith.constant 0 : i32
    %c0_i32_1 = arith.constant 0 : i32
    return %c0_i32, %c0_i32_0 : i32, i32
  }
  func.func @transform_3(%arg0: i32) -> (i32, i32) {
    %c0_i32 = arith.constant 0 : i32
    %c0_i32_0 = arith.constant 0 : i32
    %c0_i32_1 = arith.constant 0 : i32
    return %c0_i32, %c0_i32_0 : i32, i32
  }
  func.func @transform_4(%arg0: i32) -> (i32, i32) {
    %c0_i32 = arith.constant 0 : i32
    %c0_i32_0 = arith.constant 0 : i32
    %c0_i32_1 = arith.constant 0 : i32
    return %c0_i32, %c0_i32_0 : i32, i32
  }
  func.func @transform_5(%arg0: i32) -> (i32, i32) {
    %c0_i32 = arith.constant 0 : i32
    %c0_i32_0 = arith.constant 0 : i32
    %c0_i32_1 = arith.constant 0 : i32
    return %c0_i32, %c0_i32_0 : i32, i32
  }
  func.func @transform_6(%arg0: i32) -> (i32, i32) {
    %c0_i32 = arith.constant 0 : i32
    %c0_i32_0 = arith.constant 0 : i32
    %c0_i32_1 = arith.constant 0 : i32
    return %c0_i32, %c0_i32_0 : i32, i32
  }
  func.func @transform_7(%arg0: i32) -> (i32, i32) {
    %c0_i32 = arith.constant 0 : i32
    %c0_i32_0 = arith.constant 0 : i32
    return %arg0, %c0_i32 : i32, i32
  }
  func.func @transform_8(%arg0: i32) -> (i32, i32) {
    %c0_i32 = arith.constant 0 : i32
    %c0_i32_0 = arith.constant 0 : i32
    return %arg0, %c0_i32 : i32, i32
  }
}

</mosaic_0001>

<sc_bundles>
// kernel: kernel.4.cloned.1.call-start
scs
__scs_entry_jumppad:
0x0: {  	(pc) =	sbr.rel $0x88, $3  }
0x1: {  	(tag) =	ssettag $0x0;
	lr =	simm.s32 $0x1  }
0x2: {  	[smem:$0x3F9A] =	sst lr;
	_ =	strace $0xD0000000  }
0x3: {  	_ = 	snop  }
0x4: {  	_ = 	snop  }
0x5: {  	_ = 	snop  }
0x6: {  	_ = 	snop  }
0x7: {  	_ = 	snop  }
__scs_overlays_trampoline_lowered:
0x8: {  	[smem:$0x3FA9] =	sst s0  }
0x9: {  	[smem:$0x3FAA] =	sst s1  }
0xa: {  	[smem:$0x3FAB] =	sst s2  }
0xb: {  	[smem:$0x3FAC] =	sst s3  }
0xc: {  	[smem:$0x3FAD] =	sst s4  }
0xd: {  	[smem:$0x3FAE] =	sst s5  }
0xe: {  	[smem:$0x3FAF] =	sst s6  }
0xf: {  	[smem:$0x3FB0] =	sst s7  }
0x10: {  	[smem:$0x3FB1] =	sst s8  }
0x11: {  	[smem:$0x3FB2] =	sst s9;
	s0 =	simm.s32 @!p0 $0x0  }
0x12: {  	s1 =	sld [smem:$0x3F98];
	s0 =	simm.s32 @p0 $0x1  }
0x13: {  	[smem:$0x3FB3] =	sst s0;
	s0 =	simm.s32 @!p1 $0x0  }
0x14: {  	s2 =	sld [smem:$0x3F97];
	s0 =	simm.s32 @p1 $0x1  }
0x15: {  	[smem:$0x3FB4] =	sst s0;
	s0 =	simm.s32 @!p2 $0x0  }
0x16: {  	s3 =	sld [smem:$0x3FDB];
	s0 =	simm.s32 @p2 $0x1  }
0x17: {  	s4 =	simm.s32 $0x1BF5;
	[smem:$0x3FB6] =	sst s0  }
0x18: {  	s0 =	sld [smem:$0x3F99];
	_ =	swait.ge [sflag:s4], $0x0  }
0x19: {  	s7 =	sld [smem:$0x3F9A]  }
0x1a: {  	s8 =	sadd.s32 $0xFFFFE003, lr  }
0x1b: {  	s9 =	sadd.s32 $0xFFFFFEF7, lr;
	s5 =	simm.s32 $0xFFFFFFFF;
	p2 =	slt.u32 s8, $0xFFFFF086  }
0x1c: {  	p1 =	slt.u32 s9, $0xF7A;
	s5 =	simm.s32 @!p2 $0x0  }
0x1d: {  	s5 =	simm.s32 @p1 $0x1;
	p0 =	seq.s32 s7, s2  }
0x1e: {  	s7 =	smul.u32 @!p0 $0xF7A, s2;
	p2 =	seq.s32 @!p0 s5, $0x0  }
0x1f: {  	s9 =	smul.u32 $0xF7A, s1;
	s8 =	simm.s32 @!p0 $0x1BF5;
	p2 =	por !p2, p0  }
0x20: {  	[sflag:s8] =	ssyncset.s32 @!p0 $0xFFFFF086;
	s6 =	sadd.s32 @!p0 s3, s7;
	s7 =	simm.s32 @!p0 $0x108  }
0x21: {  	s3 =	sadd.s32 s3, s9;
	s6 =	sadd.s32 @!p0 $0x88, s6;
	s7 =	simm.s32 @p2 $0x1082  }
0x22: {  	[simem:s7], [sflag:s8] =	dma.local @!p0 [hbm:s6], $0xF7A  }
0x23: {  	s9 =	sor.u32 $0xD0000000, s2;
	s6 =	simm.s32 $0x108;
	_ =	swait.ge @!p0 [sflag:s8], $0x0  }
0x24: {  	s3 =	sadd.s32 $0x88, s3;
	s6 =	simm.s32 @!p1 $0x1082;
	[sflag:s4] =	ssyncset.s32 $0xFFFFF086  }
0x25: {  	[simem:s6], [sflag:s4] =	dma.local [hbm:s3], $0xF7A  }
0x26: {  	[smem:$0x3F9A] =	sst s1;
	(tag) =	ssettag s2;
	_ =	strace s9  }
0x27: {  	s1 =	sld [smem:$0x3FAA]  }
0x28: {  	s2 =	sld [smem:$0x3FAB]  }
0x29: {  	s4 =	sld [smem:$0x3FAD]  }
0x2a: {  	p0 =	seq.s32 s5, $0x0;
	s5 =	sld [smem:$0x3FAE]  }
0x2b: {  	s6 =	sld [smem:$0x3FAF]  }
0x2c: {  	s7 =	sld [smem:$0x3FB0]  }
0x2d: {  	s3 =	simm.s32 $0x108;
	s8 =	sld [smem:$0x3FB1]  }
0x2e: {  	s3 =	simm.s32 @!p0 $0x1082;
	s9 =	sld [smem:$0x3FB2]  }
0x2f: {  	lr =	sadd.s32 s0, s3;
	s0 =	sld [smem:$0x3FA9]  }
0x30: {  	s3 =	sld [smem:$0x3FAC]  }
0x31: {  	[smem:$0x3FB5] =	sst s10  }
0x32: {  	s10 =	sld [smem:$0x3FB3];
	_ =	sdelay $0x3  }
0x33: {  	p0 =	seq.s32 s10, $0x1;
	s10 =	sld [smem:$0x3FB5];
	_ =	sdelay $0x3  }
0x34: {  	[smem:$0x3FB5] =	sst s10  }
0x35: {  	s10 =	sld [smem:$0x3FB4];
	_ =	sdelay $0x3  }
0x36: {  	p1 =	seq.s32 s10, $0x1;
	s10 =	sld [smem:$0x3FB5];
	_ =	sdelay $0x3  }
0x37: {  	[smem:$0x3FB5] =	sst s10  }
0x38: {  	s10 =	sld [smem:$0x3FB6]  }
0x39: {  	_ = 	snop;
	(pc) =	sbr.ind lr, $3  }
0x3a: {  	_ = 	snop  }
0x3b: {  	_ = 	snop  }
0x3c: {  	p2 =	seq.s32 s10, $0x1;
	s10 =	sld [smem:$0x3FB5]  }
0x3d: {  	_ =	shalt  }
0x3e: {  	_ =	shalt  }
0x3f: {  	_ =	shalt  }
0x40: {  	_ =	shalt  }
0x41: {  	_ =	shalt  }
0x42: {  	_ =	shalt  }
0x43: {  	_ =	shalt  }
0x44: {  	_ =	shalt  }
0x45: {  	_ =	shalt  }
0x46: {  	_ =	shalt  }
0x47: {  	_ =	shalt  }
0x48: {  	_ =	shalt  }
0x49: {  	_ =	shalt  }
0x4a: {  	_ =	shalt  }
0x4b: {  	_ =	shalt  }
0x4c: {  	_ =	shalt  }
0x4d: {  	_ =	shalt  }
0x4e: {  	_ =	shalt  }
0x4f: {  	_ =	shalt  }
0x50: {  	_ =	shalt  }
0x51: {  	_ =	shalt  }
0x52: {  	_ =	shalt  }
0x53: {  	_ =	shalt  }
0x54: {  	_ =	shalt  }
0x55: {  	_ =	shalt  }
0x56: {  	_ =	shalt  }
0x57: {  	_ =	shalt  }
0x58: {  	_ =	shalt  }
0x59: {  	_ =	shalt  }
0x5a: {  	_ =	shalt  }
0x5b: {  	_ =	shalt  }
0x5c: {  	_ =	shalt  }
0x5d: {  	_ =	shalt  }
0x5e: {  	_ =	shalt  }
0x5f: {  	_ =	shalt  }
0x60: {  	_ =	shalt  }
0x61: {  	_ =	shalt  }
0x62: {  	_ =	shalt  }
0x63: {  	_ =	shalt  }
0x64: {  	_ =	shalt  }
0x65: {  	_ =	shalt  }
0x66: {  	_ =	shalt  }
0x67: {  	_ =	shalt  }
0x68: {  	_ =	shalt  }
0x69: {  	_ =	shalt  }
0x6a: {  	_ =	shalt  }
0x6b: {  	_ =	shalt  }
0x6c: {  	_ =	shalt  }
0x6d: {  	_ =	shalt  }
0x6e: {  	_ =	shalt  }
0x6f: {  	_ =	shalt  }
0x70: {  	_ =	shalt  }
0x71: {  	_ =	shalt  }
0x72: {  	_ =	shalt  }
0x73: {  	_ =	shalt  }
0x74: {  	_ =	shalt  }
0x75: {  	_ =	shalt  }
0x76: {  	_ =	shalt  }
0x77: {  	_ =	shalt  }
0x78: {  	_ =	shalt  }
0x79: {  	_ =	shalt  }
0x7a: {  	_ =	shalt  }
0x7b: {  	_ =	shalt  }
0x7c: {  	_ =	shalt  }
0x7d: {  	_ =	shalt  }
0x7e: {  	_ =	shalt  }
0x7f: {  	_ =	shalt  }
0x80: {  	_ =	shalt  }
0x81: {  	_ =	shalt  }
0x82: {  	_ =	shalt  }
0x83: {  	_ =	shalt  }
0x84: {  	_ =	shalt  }
0x85: {  	_ =	shalt  }
0x86: {  	_ =	shalt  }
0x87: {  	_ =	shalt  }
.Lfunc_end0:
.L_simem_size_0:
called_computation_lowered:
.L_overlay_start_0:
0x88: {  	s2 =	sld [smem:$0x3FD9]  }
0x89: {  	s3 =	sld [smem:$0x3FFE];
	_ =	sdelay $0x1  }
0x8a: {  	s1 =	srdreg.scid  }
0x8b: {  	s0 =	sand.u32 $0x1, s1  }
0x8c: {  	s14 =	sshll.u32 s0, $0xA;
	s2 =	sadd.s32 s3, s2  }
0x8d: {  	s2 =	sadd.s32 s2, s14  }
0x8e: {  	[smem:$0x3FC1] =	sst s2  }
0x8f: {  	_ = 	snop  }
0x90: {  	s2 =	sld [smem:$0x3FD0];
	_ =	sdelay $0x2  }
0x91: {  	s15 =	simm.s32 $0xA;
	s4 =	simm.s32 $0x10  }
0x92: {  	[smem:s4], [sflag:s15] =	dma.local [hbm:s2], $0x1  }
0x93: {  	_ =	swait.eq [sflag:s15], $0x1  }
0x94: {  	[sflag:s15] =	ssyncset.done $0x0  }
0x95: {  	[sflag:s15] =	ssyncadd.s32 $0xFFFFFFFF  }
0x96: {  	s16 =	sld [smem:$0x10];
	(tm) =	ssettm $0x1  }
0x97: {  	s17 =	sld [smem:$0x3FFB];
	_ =	sdelay $0x3  }
0x98: {  	_ =	strace s17  }
0x99: {  	s3 =	sld [smem:$0x3FFC];
	_ =	sdelay $0x3  }
0x9a: {  	_ =	strace s3  }
0x9b: {  	s3 =	sld [smem:$0x3FFD];
	_ =	sdelay $0x3  }
0x9c: {  	_ =	strace s3  }
0x9d: {  	_ =	strace $0x8FFFFFFF  }
0x9e: {  	s18 =	sld [smem:$0x3FDB];
	_ =	sdelay $0x1  }
0x9f: {  	s19 =	simm.s32 $_scs_section_size  }
0xa0: {  	s5 =	simm.s32 $_size__tile_overlayer_lowered;
	s6 =	simm.s32 $_tile_overlayer_lowered  }
0xa1: {  	s22 =	simm.s32 $0x1BFF;
	s21 =	sshll.u32 s6, $0x1;
	s3 =	sadd.s32 s19, s18  }
0xa2: {  	s7 =	simm.s32 $0x0;
	s20 =	sshll.u32 s5, $0x1;
	s5 =	sadd.s32 s21, s3  }
0xa3: {  	[timem:s7], [sflag:s22] =	dma.local [hbm:s5], s20  }
0xa4: {  	_ =	swait.ge [sflag:s22], s20  }
0xa5: {  	s4 =	ssub.s32 $0x0, s20;
	[sflag:s22] =	ssyncset.done $0x0  }
0xa6: {  	[sflag:s22] =	ssyncadd.s32 s4;
	_ =	sdelay $0x1  }
0xa7: {  	s23 =	simm.s32 $0x1B8B  }
0xa8: {  	_ =	swait.ge [sflag:s23], $0x1  }
0xa9: {  	[sflag:s23] =	ssyncset.done $0x0  }
0xaa: {  	s25 =	simm.s32 $0x1B8E;
	s24 =	sld [smem:$0x3FFE];
	[sflag:s23] =	ssyncadd.s32 $0xFFFFFFFF  }
0xab: {  	s26 =	simm.s32 $execute0_lowered;
	[smem:$0x3FD2] =	sst s25  }
0xac: {  	s5 =	sshll.u32 s26, $0x1;
	_ =	strace $0x80000046;
	[dreg:$0x1] =	wrdreg $0xFFFFFFFF  }
0xad: {  	s28 =	simm.s32 $_size_execute0_lowered;
	s3 =	sadd.s32 s3, s5;
	[dreg:$0x0] =	wrdreg $0x0  }
0xae: {  	s5 =	sshll.u32 s28, $0x1;
	[dreg:$0x2] =	wrdreg s3  }
0xaf: {  	[dreg:$0x3] =	wrdreg s5  }
0xb0: {  	[dreg:$0x4] =	wrdreg $0xC0  }
0xb1: {  	_ =	task [dreg:s7], $0x5FFFF  }
0xb2: {  	[dreg:$0x1] =	wrdreg $0xFFFFFFFF  }
0xb3: {  	[dreg:$0x0] =	wrdreg $0x60  }
0xb4: {  	[dreg:$0x2] =	wrdreg s24  }
0xb5: {  	[dreg:$0x3] =	wrdreg s16  }
0xb6: {  	[dreg:$0x4] =	wrdreg $0x7B200  }
0xb7: {  	[dreg:$0x5] =	wrdreg $0x9  }
0xb8: {  	_ =	task.clear_ibuf [dreg:s7], $0x6FFFF;
	_ =	strace $0x90000046  }
0xb9: {  	s29 =	simm.s32 $0x9;
	_ =	strace $0x80000048  }
0xba: {  	_ =	swait.ge [sflag:s29], $0x1  }
0xbb: {  	[sflag:s29] =	ssyncadd.s32 $0xFFFFFFFF  }
0xbc: {  	_ =	strace $0x90000048  }
0xbd: {  	_ =	sfence  }
0xbe: {  	s30 =	sld [smem:$0x0];
	_ =	sdelay $0x2  }
0xbf: {  	s31 =	sshll.u32 s1, $0xD;
	s1 =	sshrl.u32 s1, $0x2  }
0xc0: {  	s3 =	sand.u32 $0x4000, s31;
	s1 =	sadd.s32 s1, s30  }
0xc1: {  	s0 =	sor.u32 s3, s0;
	s1 =	sshll.u32 s1, $0x11  }
0xc2: {  	s0 =	sor.u32 s1, s0  }
0xc3: {  	s0 =	sadd.s32 $0x8F2B, s0  }
0xc4: {  	[sflag:s0] =	ssyncadd.remote.s32 $0x1  }
0xc5: {  	_ =	sfence.sel $0xFFFF  }
0xc6: {  	[dreg:$0x0] =	wrdreg $0xFFFFFFFF;
	(pc) =	sbr.abs _section_cstart, $3  }
0xc7: {  	[dreg:$0x1] =	wrdreg $0xFFFFFFFF  }
0xc8: {  	_ =	task.clear_ibuf [dreg:s7], $0x2FFFF;
	_ =	strace $0x9FFFFFFF  }
0xc9: {  	(tm) =	ssettm $0x7FFFFFFF  }
tec
execute0_lowered:
.L_overlay_start_1:
0x0: {  	(tag) =	ssettag $0x1  }
0x1: {  	s6 =	rddreg [dreg:$0x0]  }
0x2: {  	s7 =	rddreg [dreg:$0x1]  }
0x3: {  	s2 =	rddreg [dreg:$0x2];
	s3 =	srdreg.scid  }
0x4: {  	s0 =	rddreg [dreg:$0x3];
	s1 =	stileid.u32  }
0x5: {  	s13 =	simm.s32 $0x1;
	s14 =	simm.s32 $0x50;
	s15 =	simm.s32 $0x4E20  }
0x6: {  	s16 =	simm.s32 $0x2;
	s18 =	simm.s32 $0x0;
	s8 =	sand.u32 $0x1, s3  }
0x7: {  	s3 =	simm.s32 $0x0;
	s9 =	smul.u32 $0x16380, s1;
	s5 =	sadd.s32 $0x2D400, s6  }
0x8: {  	s17 =	sshll.u32 s1, $0x6;
	s4 =	sshll.u32 s8, $0x4;
	[smem:$0x7FF] =	sst s3  }
0x9: {  	s10 =	smul.u32 $0x163800, s8;
	s8 =	ssub.s32 $0x2, s8;
	s4 =	sor.u32 s1, s4  }
0xa: {  	_ =	strace $0x80000047;
	s12 =	sshrl.u32 s8, $0x1;
	s31 =	sadd.s32 s9, s2  }
0xb: {  	s11 =	smul.u32 $0x2710, s4;
	s4 =	sadd.s32 $0x1400, s6;
	s10 =	sadd.s32 s9, s10  }
0xc: {  	s30 =	ssub.s32 s8, s12;
	s8 =	sor.u32 $0x1C01, s17;
	s10 =	sshrl.u32 s10, $0x3  }
0xd: {  	s12 =	sshrl.u32 s31, $0x3;
	s11 =	sshrl.u32 s11, $0x3;
	s10 =	sadd.s32 s10, s6  }
0xe: {  	s17 =	sor.u32 $0x1C02, s17;
	s6 =	sadd.s32 s7, s11;
	s9 =	sadd.s32 $0x30200, s10  }
0xf: {  	s10 =	smax.u32 s30, $0x1;
	s11 =	simm.s32 $0x2710;
	s7 =	sadd.s32 $0x9C40, s6  }
.LBB2_1:
0x10: {  	[tilespmem:s3], [sflag:$0x1] =	stream.linear.gather [hbm4b:s6+s3], $0x2710, $0x38;
	[tilespmem:$0x1DEA0] =	vst v63  }
0x11: {  	_ = 	snop  }
0x12: {  	[tilespmem:s11], [sflag:$0x1] =	stream.linear.gather [hbm4b:s7+s3], $0x2710, $0x38;
	[tilespmem:$0x1DEA0] =	vst v63  }
0x13: {  	[spmem:s12], [sflag:s8] =	dma.local [hbm:s5], $0x2C70  }
0x14: {  	_ =	swait.ge [sflag:s13], $0x2710  }
0x15: {  	[sflag:s13] =	ssyncset.done $0x0  }
0x16: {  	[sflag:s13] =	ssyncadd.s32 $0xFFFFD8F0  }
0x17: {  	_ =	swait.ge [sflag:s13], $0x2710  }
0x18: {  	[sflag:s13] =	ssyncset.done $0x0  }
0x19: {  	[sflag:s13] =	ssyncadd.s32 $0xFFFFD8F0  }
0x1a: {  	_ =	swait.ge [sflag:s13], $0x2C70  }
0x1b: {  	[sflag:s13] =	ssyncset.done $0x0  }
0x1c: {  	[sflag:s13] =	ssyncadd.s32 $0xFFFFD390  }
0x1d: {  	s19 =	simm.s32 $0x0;
	[bflag:$0x0] =	sbarrier.arrive $0xFFFF  }
0x1e: {  	[tilespmem:s15], [sflag:$0x1] =	stream.indirect.gather [hbm4b:s4+s14], $0x90, s19, s14, $0xb8;
	[tilespmem:$0x1DEA0] =	vst v63  }
0x1f: {  	_ =	swait.ge [sflag:s13], $0x2D00  }
0x20: {  	[sflag:s13] =	ssyncset.done $0x0  }
0x21: {  	s22 =	simm.s32 $0x2710;
	[sflag:s13] =	ssyncadd.s32 $0xFFFFD300  }
0x22: {  	[spmem:s2] =	stream.indirect.scatter.add.f32 [tilespmem:s15], [sflag:$0x2], $0x90, s22, s14, $0xb8;
	[tilespmem:$0x1DEA0] =	vst v63  }
0x23: {  	_ =	swait.ge [sflag:s16], $0x2D00  }
0x24: {  	[sflag:s16] =	ssyncset.done $0x0  }
0x25: {  	s23 =	simm.s32 $0x50;
	[sflag:s16] =	ssyncadd.s32 $0xFFFFD300  }
0x26: {  	[tilespmem:s15], [sflag:$0x1] =	stream.indirect.gather [hbm4b:s4+s14], $0x90, s23, s14, $0xb8;
	[tilespmem:$0x1DEA0] =	vst v63  }
0x27: {  	_ =	swait.ge [sflag:s13], $0x2D00  }
0x28: {  	[sflag:s13] =	ssyncset.done $0x0  }
0x29: {  	s24 =	simm.s32 $0x2760;
	[sflag:s13] =	ssyncadd.s32 $0xFFFFD300  }
0x2a: {  	[spmem:s2] =	stream.indirect.scatter.add.f32 [tilespmem:s15], [sflag:$0x2], $0x90, s24, s14, $0xb8;
	[tilespmem:$0x1DEA0] =	vst v63  }
0x2b: {  	_ =	swait.ge [sflag:s16], $0x2D00  }
0x2c: {  	[sflag:s16] =	ssyncset.done $0x0  }
0x2d: {  	s25 =	simm.s32 $0xA0;
	[sflag:s16] =	ssyncadd.s32 $0xFFFFD300  }
0x2e: {  	[tilespmem:s15], [sflag:$0x1] =	stream.indirect.gather [hbm4b:s4+s14], $0x90, s25, s14, $0xb8;
	[tilespmem:$0x1DEA0] =	vst v63  }
0x2f: {  	_ =	swait.ge [sflag:s13], $0x2D00  }
0x30: {  	[sflag:s13] =	ssyncset.done $0x0  }
0x31: {  	s26 =	simm.s32 $0x27B0;
	[sflag:s13] =	ssyncadd.s32 $0xFFFFD300  }
0x32: {  	[spmem:s2] =	stream.indirect.scatter.add.f32 [tilespmem:s15], [sflag:$0x2], $0x90, s26, s14, $0xb8;
	[tilespmem:$0x1DEA0] =	vst v63  }
0x33: {  	_ =	swait.ge [sflag:s16], $0x2D00  }
0x34: {  	[sflag:s16] =	ssyncset.done $0x0  }
0x35: {  	s28 =	simm.s32 $0xF0;
	[sflag:s16] =	ssyncadd.s32 $0xFFFFD300  }
0x36: {  	[tilespmem:s15], [sflag:$0x1] =	stream.indirect.gather [hbm4b:s4+s14], $0x90, s28, s14, $0xb8;
	[tilespmem:$0x1DEA0] =	vst v63  }
0x37: {  	_ =	swait.ge [sflag:s13], $0x2D00  }
0x38: {  	[sflag:s13] =	ssyncset.done $0x0  }
0x39: {  	s29 =	simm.s32 $0x2800;
	[sflag:s13] =	ssyncadd.s32 $0xFFFFD300  }
0x3a: {  	[spmem:s2] =	stream.indirect.scatter.add.f32 [tilespmem:s15], [sflag:$0x2], $0x90, s29, s14, $0xb8;
	[tilespmem:$0x1DEA0] =	vst v63  }
0x3b: {  	_ =	swait.ge [sflag:s16], $0x2D00  }
0x3c: {  	[sflag:s16] =	ssyncset.done $0x0  }
0x3d: {  	s30 =	simm.s32 $0x140;
	[sflag:s16] =	ssyncadd.s32 $0xFFFFD300  }
0x3e: {  	[tilespmem:s15], [sflag:$0x1] =	stream.indirect.gather [hbm4b:s4+s14], $0x90, s30, s14, $0xb8;
	[tilespmem:$0x1DEA0] =	vst v63  }
0x3f: {  	_ =	swait.ge [sflag:s13], $0x2D00  }
0x40: {  	[sflag:s13] =	ssyncset.done $0x0  }
0x41: {  	s31 =	simm.s32 $0x2850;
	[sflag:s13] =	ssyncadd.s32 $0xFFFFD300  }
0x42: {  	[spmem:s2] =	stream.indirect.scatter.add.f32 [tilespmem:s15], [sflag:$0x2], $0x90, s31, s14, $0xb8;
	[tilespmem:$0x1DEA0] =	vst v63  }
0x43: {  	_ =	swait.ge [sflag:s16], $0x2D00  }
0x44: {  	s20 =	simm.s32 $0x640;
	s19 =	simm.s32 $0x5;
	[sflag:s16] =	ssyncset.done $0x0  }
.LBB2_2:
0x45: {  	s19 =	sadd.s32 $0x5, s19;
	s21 =	sshra.s32 s20, $0x2;
	[sflag:s16] =	ssyncadd.s32 $0xFFFFD300  }
0x46: {  	[tilespmem:s15], [sflag:$0x1] =	stream.indirect.gather [hbm4b:s4+s14], $0x90, s21, s14, $0xb8;
	[tilespmem:$0x1DEA0] =	vst v63  }
0x47: {  	p0 =	slt.u32 s19, $0x78;
	_ =	swait.ge [sflag:s13], $0x2D00  }
0x48: {  	[sflag:s13] =	ssyncset.done $0x0  }
0x49: {  	s22 =	sadd.s32 $0x2710, s21;
	[sflag:s13] =	ssyncadd.s32 $0xFFFFD300  }
0x4a: {  	[spmem:s2] =	stream.indirect.scatter.add.f32 [tilespmem:s15], [sflag:$0x2], $0x90, s22, s14, $0xb8;
	[tilespmem:$0x1DEA0] =	vst v63  }
0x4b: {  	_ =	swait.ge [sflag:s16], $0x2D00  }
0x4c: {  	[sflag:s16] =	ssyncset.done $0x0  }
0x4d: {  	s22 =	sadd.s32 $0x50, s21;
	[sflag:s16] =	ssyncadd.s32 $0xFFFFD300  }
0x4e: {  	[tilespmem:s15], [sflag:$0x1] =	stream.indirect.gather [hbm4b:s4+s14], $0x90, s22, s14, $0xb8;
	[tilespmem:$0x1DEA0] =	vst v63  }
0x4f: {  	_ =	swait.ge [sflag:s13], $0x2D00  }
0x50: {  	[sflag:s13] =	ssyncset.done $0x0  }
0x51: {  	s22 =	sadd.s32 $0x2760, s21;
	[sflag:s13] =	ssyncadd.s32 $0xFFFFD300  }
0x52: {  	[spmem:s2] =	stream.indirect.scatter.add.f32 [tilespmem:s15], [sflag:$0x2], $0x90, s22, s14, $0xb8;
	[tilespmem:$0x1DEA0] =	vst v63  }
0x53: {  	_ =	swait.ge [sflag:s16], $0x2D00  }
0x54: {  	[sflag:s16] =	ssyncset.done $0x0  }
0x55: {  	s22 =	sadd.s32 $0xA0, s21;
	[sflag:s16] =	ssyncadd.s32 $0xFFFFD300  }
0x56: {  	[tilespmem:s15], [sflag:$0x1] =	stream.indirect.gather [hbm4b:s4+s14], $0x90, s22, s14, $0xb8;
	[tilespmem:$0x1DEA0] =	vst v63  }
0x57: {  	_ =	swait.ge [sflag:s13], $0x2D00  }
0x58: {  	[sflag:s13] =	ssyncset.done $0x0  }
0x59: {  	s22 =	sadd.s32 $0x27B0, s21;
	[sflag:s13] =	ssyncadd.s32 $0xFFFFD300  }
0x5a: {  	[spmem:s2] =	stream.indirect.scatter.add.f32 [tilespmem:s15], [sflag:$0x2], $0x90, s22, s14, $0xb8;
	[tilespmem:$0x1DEA0] =	vst v63  }
0x5b: {  	_ =	swait.ge [sflag:s16], $0x2D00  }
0x5c: {  	[sflag:s16] =	ssyncset.done $0x0  }
0x5d: {  	s22 =	sadd.s32 $0xF0, s21;
	[sflag:s16] =	ssyncadd.s32 $0xFFFFD300  }
0x5e: {  	[tilespmem:s15], [sflag:$0x1] =	stream.indirect.gather [hbm4b:s4+s14], $0x90, s22, s14, $0xb8;
	[tilespmem:$0x1DEA0] =	vst v63  }
0x5f: {  	_ =	swait.ge [sflag:s13], $0x2D00  }
0x60: {  	[sflag:s13] =	ssyncset.done $0x0  }
0x61: {  	s22 =	sadd.s32 $0x2800, s21;
	[sflag:s13] =	ssyncadd.s32 $0xFFFFD300  }
0x62: {  	[spmem:s2] =	stream.indirect.scatter.add.f32 [tilespmem:s15], [sflag:$0x2], $0x90, s22, s14, $0xb8;
	[tilespmem:$0x1DEA0] =	vst v63  }
0x63: {  	_ =	swait.ge [sflag:s16], $0x2D00  }
0x64: {  	[sflag:s16] =	ssyncset.done $0x0  }
0x65: {  	s22 =	sadd.s32 $0x140, s21;
	[sflag:s16] =	ssyncadd.s32 $0xFFFFD300  }
0x66: {  	[tilespmem:s15], [sflag:$0x1] =	stream.indirect.gather [hbm4b:s4+s14], $0x90, s22, s14, $0xb8;
	[tilespmem:$0x1DEA0] =	vst v63  }
0x67: {  	_ =	swait.ge [sflag:s13], $0x2D00  }
.Ltmp0:
0x68: {  	[sflag:s13] =	ssyncset.done $0x0;
	(pc) =	sbr.rel @p0 .LBB2_2-.Ltmp0, $4  }
0x69: {  	s21 =	sadd.s32 $0x2850, s21;
	[sflag:s13] =	ssyncadd.s32 $0xFFFFD300  }
0x6a: {  	[spmem:s2] =	stream.indirect.scatter.add.f32 [tilespmem:s15], [sflag:$0x2], $0x90, s21, s14, $0xb8;
	[tilespmem:$0x1DEA0] =	vst v63  }
0x6b: {  	_ =	swait.ge [sflag:s16], $0x2D00  }
0x6c: {  	s20 =	sadd.s32 $0x640, s20;
	[sflag:s16] =	ssyncset.done $0x0  }
0x6d: {  	s19 =	sshra.s32 s20, $0x2;
	[sflag:s16] =	ssyncadd.s32 $0xFFFFD300  }
0x6e: {  	[tilespmem:s15], [sflag:$0x1] =	stream.indirect.gather [hbm4b:s4+s14], $0x90, s19, s14, $0xb8;
	[tilespmem:$0x1DEA0] =	vst v63  }
0x6f: {  	_ =	swait.ge [sflag:s13], $0x2D00  }
0x70: {  	[sflag:s13] =	ssyncset.done $0x0  }
0x71: {  	s20 =	sadd.s32 $0x2710, s19;
	[sflag:s13] =	ssyncadd.s32 $0xFFFFD300  }
0x72: {  	[spmem:s2] =	stream.indirect.scatter.add.f32 [tilespmem:s15], [sflag:$0x2], $0x90, s20, s14, $0xb8;
	[tilespmem:$0x1DEA0] =	vst v63  }
0x73: {  	_ =	swait.ge [sflag:s16], $0x2D00  }
0x74: {  	[sflag:s16] =	ssyncset.done $0x0  }
0x75: {  	s24 =	sadd.s32 $0x50, s19;
	[sflag:s16] =	ssyncadd.s32 $0xFFFFD300  }
0x76: {  	[tilespmem:s15], [sflag:$0x1] =	stream.indirect.gather [hbm4b:s4+s14], $0x90, s24, s14, $0xb8;
	[tilespmem:$0x1DEA0] =	vst v63  }
0x77: {  	_ =	swait.ge [sflag:s13], $0x2D00  }
0x78: {  	[sflag:s13] =	ssyncset.done $0x0  }
0x79: {  	s25 =	sadd.s32 $0x2760, s19;
	[sflag:s13] =	ssyncadd.s32 $0xFFFFD300  }
0x7a: {  	[spmem:s2] =	stream.indirect.scatter.add.f32 [tilespmem:s15], [sflag:$0x2], $0x90, s25, s14, $0xb8;
	[tilespmem:$0x1DEA0] =	vst v63  }
0x7b: {  	_ =	swait.ge [sflag:s16], $0x2D00  }
0x7c: {  	[sflag:s16] =	ssyncset.done $0x0  }
0x7d: {  	s26 =	sadd.s32 $0xA0, s19;
	[sflag:s16] =	ssyncadd.s32 $0xFFFFD300  }
0x7e: {  	[tilespmem:s15], [sflag:$0x1] =	stream.indirect.gather [hbm4b:s4+s14], $0x90, s26, s14, $0xb8;
	[tilespmem:$0x1DEA0] =	vst v63  }
0x7f: {  	_ =	swait.ge [sflag:s13], $0x2D00  }
0x80: {  	[sflag:s13] =	ssyncset.done $0x0  }
0x81: {  	s28 =	sadd.s32 $0x27B0, s19;
	[sflag:s13] =	ssyncadd.s32 $0xFFFFD300  }
0x82: {  	[spmem:s2] =	stream.indirect.scatter.add.f32 [tilespmem:s15], [sflag:$0x2], $0x90, s28, s14, $0xb8;
	[tilespmem:$0x1DEA0] =	vst v63  }
0x83: {  	_ =	swait.ge [sflag:s16], $0x2D00  }
0x84: {  	[sflag:s16] =	ssyncset.done $0x0  }
0x85: {  	s29 =	sadd.s32 $0xF0, s19;
	[sflag:s16] =	ssyncadd.s32 $0xFFFFD300  }
0x86: {  	[tilespmem:s15], [sflag:$0x1] =	stream.indirect.gather [hbm4b:s4+s14], $0x90, s29, s14, $0xb8;
	[tilespmem:$0x1DEA0] =	vst v63  }
0x87: {  	_ =	swait.ge [sflag:s13], $0x2D00  }
0x88: {  	[sflag:s13] =	ssyncset.done $0x0  }
0x89: {  	s30 =	sadd.s32 $0x2800, s19;
	[sflag:s13] =	ssyncadd.s32 $0xFFFFD300  }
0x8a: {  	[spmem:s2] =	stream.indirect.scatter.add.f32 [tilespmem:s15], [sflag:$0x2], $0x90, s30, s14, $0xb8;
	[tilespmem:$0x1DEA0] =	vst v63  }
0x8b: {  	_ =	swait.ge [sflag:s16], $0x2D00  }
0x8c: {  	[sflag:s16] =	ssyncset.done $0x0  }
0x8d: {  	s31 =	sadd.s32 $0x140, s19;
	[sflag:s16] =	ssyncadd.s32 $0xFFFFD300  }
0x8e: {  	[tilespmem:s15], [sflag:$0x1] =	stream.indirect.gather [hbm4b:s4+s14], $0x90, s31, s14, $0xb8;
	[tilespmem:$0x1DEA0] =	vst v63  }
0x8f: {  	_ =	swait.ge [sflag:s13], $0x2D00  }
0x90: {  	[sflag:s13] =	ssyncset.done $0x0  }
0x91: {  	s19 =	sadd.s32 $0x2850, s19;
	[sflag:s13] =	ssyncadd.s32 $0xFFFFD300  }
0x92: {  	[spmem:s2] =	stream.indirect.scatter.add.f32 [tilespmem:s15], [sflag:$0x2], $0x90, s19, s14, $0xb8;
	[tilespmem:$0x1DEA0] =	vst v63  }
0x93: {  	_ =	swait.ge [sflag:s16], $0x2D00  }
0x94: {  	s18 =	sadd.s32 $0x1, s18;
	[sflag:s16] =	ssyncset.done $0x0  }
0x95: {  	p0 =	sne.s32 s18, s10;
	[sflag:s16] =	ssyncadd.s32 $0xFFFFD300  }
.Ltmp1:
0x96: {  	[bflag:$0x0] =	sbarrier.arrive $0xFFFF;
	(pc) =	sbr.rel @p0 .LBB2_1-.Ltmp1, $4  }
0x97: {  	[hbm:s9], [sflag:s17] =	dma.local [spmem:s12], $0x2C70  }
0x98: {  	_ =	swait.ge [sflag:s16], $0x2C70  }
0x99: {  	[sflag:s16] =	ssyncset.done $0x0  }
0x9a: {  	[sflag:s16] =	ssyncadd.s32 $0xFFFFD390  }
0x9b: {  	_ =	sfence.sel $0x180000  }
0x9c: {  	[bflag:$0x0] =	sbarrier.arrive $0xFFFF  }
0x9d: {  	p0 =	sne.s32 s1, $0x0;
	_ =	strace $0x90000047  }
0x9e: {  	s0 =	sadd.s32 @!p0 $0x100000, s0;
	[bflag:$0x2] =	sbarrier.arrive $0xFFFF  }
0x9f: {  	[sflag:s0] =	ssyncadd.tile.s32 @!p0 $0x1;
	_ =	shalt  }
.Lfunc_end2:
_tile_overlayer_lowered:
.L_overlay_start_2:
0xa0: {  	(tag) =	ssettag $0x2  }
0xa1: {  	s0 =	rddreg [dreg:$0x0];
	s2 =	stileid.u32  }
0xa2: {  	s1 =	rddreg [dreg:$0x1];
	p0 =	sne.s32 s2, $0x0  }
0xa3: {  	s3 =	rddreg [dreg:$0x2];
	[bflag:$0x3] =	sbarrier.arrive $0xFFFF;
	s2 =	simm.s32 @!p0 $0x1C02  }
0xa4: {  	[timem:s3], [sflag:s2] =	dma.local @!p0 [hbm:s0], s1  }
0xa5: {  	s0 =	simm.s32 @!p0 $0x2  }
0xa6: {  	_ =	swait.ge @!p0 [sflag:s0], s1  }
0xa7: {  	s1 =	ssub.s32 @!p0 $0x0, s1;
	[sflag:s0] =	ssyncset.done @!p0 $0x0  }
0xa8: {  	[sflag:s0] =	ssyncadd.s32 @!p0 s1  }
0xa9: {  	[bflag:$0x3] =	sbarrier.arrive $0xFFFF  }
0xaa: {  	_ =	shalt  }

</sc_bundles>
